<compile_context>
chip_gen: v7x
topology: tpu7x:2x2x1
jax: 0.10.2.dev20260603
libtpu: 0.0.44.dev20260713+nightly
codegen_flags: <defaults>
</compile_context>

<pallas_src>
import functools

import jax
import jax.numpy as jnp
from jax import lax
from jax.experimental import pallas as pl
from jax.experimental.pallas import tpu as pltpu
from jax.experimental.pallas import tpu_sc as plsc

NC, NS = 2, 16
NW = NC * NS
BATCH, SEQ = 4, 2048
N_IDX = BATCH * SEQ
D = 1024
ROWS_PER_W = N_IDX // NW
W_PER_ROW = SEQ // ROWS_PER_W
CH = 16
NCHUNK = ROWS_PER_W // CH
NBUF = 4

_mesh = plsc.VectorSubcoreMesh(core_axis_name="c", subcore_axis_name="s")


@functools.partial(
    pl.kernel,
    mesh=_mesh,
    compiler_params=pltpu.CompilerParams(
        skip_device_barrier=True,
        disable_bounds_checks=True,
        disable_semaphore_checks=True,
    ),
    out_type=jax.ShapeDtypeStruct((N_IDX, D), jnp.float32),
    scratch_types=[
        pltpu.VMEM((ROWS_PER_W,), jnp.int32),
    ]
    + [pltpu.VMEM((CH, D), jnp.float32) for _ in range(NBUF)]
    + [
        pltpu.SemaphoreType.DMA,
        pltpu.SemaphoreType.DMA,
    ],
)
def _gather_kernel(x_hbm, pe_hbm, out_hbm, idx_v, *rest):
    bufs = rest[:NBUF]
    gsem, osem = rest[NBUF], rest[NBUF + 1]
    wid = lax.axis_index("s") * NC + lax.axis_index("c")
    base = wid * ROWS_PER_W

    pltpu.sync_copy(
        x_hbm.at[wid // W_PER_ROW, pl.ds((wid % W_PER_ROW) * ROWS_PER_W, ROWS_PER_W)],
        idx_v,
    )

    def gather(c, buf):
        pltpu.async_copy(pe_hbm.at[idx_v.at[pl.ds(c * CH, CH)]], buf, gsem)

    for b in range(NBUF):
        gather(b, bufs[b])

    @pl.loop(0, NCHUNK, step=NBUF)
    def _chunks(i):
        for b in range(NBUF):
            c = i + b
            pltpu.make_async_copy(pe_hbm.at[pl.ds(0, CH)], bufs[b], gsem).wait()
            out_cp = pltpu.async_copy(
                bufs[b], out_hbm.at[pl.ds(base + c * CH, CH)], osem
            )
            out_cp.wait()

            @pl.when(c + NBUF < NCHUNK)
            def _():
                gather(c + NBUF, bufs[b])


def kernel(x, pe):
    out = _gather_kernel(x, pe)
    return out.reshape(BATCH, SEQ, D)

# --- scband reference (transcript-rebuilt; emitter-appended) ---
"""Pipeline reference for scband-relative-positional-embedding-8091718385985 (READ-ONLY COPY).

The authoritative reference and input builder live on the scoring server;
editing this copy changes nothing except your own understanding.
"""

import jax, jax.numpy as jnp
import numpy as np
import math

NUM_EMBEDDINGS = 4096
EMBEDDING_DIM = 1024


def _build_pe(num_embeddings, embedding_dim):
    pe = np.zeros((num_embeddings, embedding_dim), dtype=np.float32)
    k = np.arange(0, num_embeddings)[:, None].astype(np.float32)
    div_term = np.exp(np.arange(0, embedding_dim, 2).astype(np.float32) * -(math.log(10000.0) / embedding_dim))
    pe[:, 0::2] = np.sin(k * div_term)
    pe[:, 1::2] = np.cos(k * div_term)
    return jnp.asarray(pe)


def setup_inputs(seed: int = 0) -> dict:
    key = jax.random.key(seed)
    x = jax.random.randint(key, (4, 2048), 0, NUM_EMBEDDINGS, dtype=jnp.int32)
    pe = _build_pe(NUM_EMBEDDINGS, EMBEDDING_DIM)
    return {"x": x, "pe": pe}


def reference(x, pe):
    # Faithful translation: forward is a pure gather from the sinusoidal buffer.
    # Dropout module exists in __init__ but is never applied in forward.
    return jnp.take(pe, x, axis=0)

if __name__ == "__main__":
    import jax
    _d = setup_inputs()
    print(jax.jit(kernel)(*tuple(_d.values())))

</pallas_src>

<mosaic_0001>
#map = affine_map<(d0, d1) -> (0, 0)>
module attributes {stable_mosaic.version = 14 : i64} {
  func.func @_gather_kernel(%arg0: i32, %arg1: i32, %arg2: memref<4x2048xi32, #tpu.memory_space<hbm>>, %arg3: memref<4096x1024xf32, #tpu.memory_space<hbm>>, %arg4: memref<8192x1024xf32, #tpu.memory_space<hbm>>, %arg5: memref<256xi32, #tpu.memory_space<vmem>>, %arg6: memref<16x1024xf32, #tpu.memory_space<vmem>>, %arg7: memref<16x1024xf32, #tpu.memory_space<vmem>>, %arg8: memref<16x1024xf32, #tpu.memory_space<vmem>>, %arg9: memref<16x1024xf32, #tpu.memory_space<vmem>>, %arg10: memref<!tpu.dma_semaphore, #tpu.memory_space<semaphore_mem>>, %arg11: memref<!tpu.dma_semaphore, #tpu.memory_space<semaphore_mem>>) attributes {dimension_semantics = [#tpu.dimension_semantics<core_parallel>, #tpu.dimension_semantics<subcore_parallel>], iteration_bounds = array<i64: 2, 16>, scalar_prefetch = 0 : i64, scratch_operands = 7 : i64, tpu.core_type = #tpu.core_type<sc_vector_subcore>, window_params = [{transform_indices = #map}, {transform_indices = #map}, {transform_indices = #map}]} {
    %mul3A = arith.constant 2 : i32
    %mul3A_0 = arith.muli %arg1, %mul3A : i32
    %add3A = arith.addi %mul3A_0, %arg0 : i32
    %mul3A_1 = arith.constant 256 : i32
    %mul3A_2 = arith.muli %add3A, %mul3A_1 : i32
    %jit3A = arith.constant 8 : i32
    %div3A = arith.divsi %add3A, %jit3A : i32
    %sign3A = arith.constant 0 : i32
    %sign3A_3 = arith.cmpi sgt, %add3A, %sign3A : i32
    %sign3A_4 = arith.extui %sign3A_3 : i1 to i32
    %sign3A_5 = arith.constant 0 : i32
    %sign3A_6 = arith.cmpi slt, %add3A, %sign3A_5 : i32
    %sign3A_7 = arith.extui %sign3A_6 : i1 to i32
    %sign3A_8 = arith.subi %sign3A_4, %sign3A_7 : i32
    %sign3A_9 = arith.constant 0 : i32
    %sign3A_10 = arith.cmpi sgt, %jit3A, %sign3A_9 : i32
    %sign3A_11 = arith.extui %sign3A_10 : i1 to i32
    %sign3A_12 = arith.constant 0 : i32
    %sign3A_13 = arith.cmpi slt, %jit3A, %sign3A_12 : i32
    %sign3A_14 = arith.extui %sign3A_13 : i1 to i32
    %sign3A_15 = arith.subi %sign3A_11, %sign3A_14 : i32
    %ne3A = arith.cmpi ne, %sign3A_8, %sign3A_15 : i32
    %rem3A = arith.remsi %add3A, %jit3A : i32
    %ne3A_16 = arith.constant 0 : i32
    %ne3A_17 = arith.cmpi ne, %rem3A, %ne3A_16 : i32
    %and3A = arith.andi %ne3A, %ne3A_17 : i1
    %sub3A = arith.constant 1 : i32
    %sub3A_18 = arith.subi %div3A, %sub3A : i32
    %select_n3A = arith.select %and3A, %sub3A_18, %div3A : i32
    %jit3A_19 = arith.constant 8 : i32
    %eq3A = arith.constant 0 : i32
    %eq3A_20 = arith.cmpi eq, %jit3A_19, %eq3A : i32
    %jit3A_21 = arith.constant 1 : i32
    %select_n3A_22 = arith.select %eq3A_20, %jit3A_21, %jit3A_19 : i32
    %rem3A_23 = arith.remsi %add3A, %select_n3A_22 : i32
    %ne3A_24 = arith.constant 0 : i32
    %ne3A_25 = arith.cmpi ne, %rem3A_23, %ne3A_24 : i32
    %lt3A = arith.constant 0 : i32
    %lt3A_26 = arith.cmpi slt, %rem3A_23, %lt3A : i32
    %lt3A_27 = arith.constant 0 : i32
    %lt3A_28 = arith.cmpi slt, %select_n3A_22, %lt3A_27 : i32
    %ne3A_29 = arith.xori %lt3A_26, %lt3A_28 : i1
    %and3A_30 = arith.andi %ne3A_29, %ne3A_25 : i1
    %add3A_31 = arith.addi %rem3A_23, %select_n3A_22 : i32
    %select_n3A_32 = arith.select %and3A_30, %add3A_31, %rem3A_23 : i32
    %mul3A_33 = arith.constant 256 : i32
    %mul3A_34 = arith.muli %select_n3A_32, %mul3A_33 : i32
    "tpu.region"() ({
      %run_scoped3A = tpu.sem_alloc : memref<!tpu.dma_semaphore, #tpu.memory_space<semaphore_mem>>
      %dma_start3A_58 = tpu.memref_slice %arg2[%select_n3A, %mul3A_34] : memref<4x2048xi32, #tpu.memory_space<hbm>> -> memref<1x256xi32, #tpu.memory_space<hbm>>
      %dma_start3A_59 = tpu.memref_squeeze %dma_start3A_58 : memref<1x256xi32, #tpu.memory_space<hbm>> -> memref<256xi32, #tpu.memory_space<hbm>>
      %dma_start3A_60 = tpu.memref_slice %arg2[%select_n3A, %mul3A_34] : memref<4x2048xi32, #tpu.memory_space<hbm>> -> memref<1x256xi32, #tpu.memory_space<hbm>>
      %dma_start3A_61 = tpu.memref_squeeze %dma_start3A_60 : memref<1x256xi32, #tpu.memory_space<hbm>> -> memref<256xi32, #tpu.memory_space<hbm>>
      tpu.enqueue_dma source(%dma_start3A_61 : memref<256xi32, #tpu.memory_space<hbm>>) target(%arg5 : memref<256xi32, #tpu.memory_space<vmem>>) target_semaphore(%run_scoped3A : memref<!tpu.dma_semaphore, #tpu.memory_space<semaphore_mem>>)
      %dma_wait3A = tpu.memref_slice %arg2[%select_n3A, %mul3A_34] : memref<4x2048xi32, #tpu.memory_space<hbm>> -> memref<1x256xi32, #tpu.memory_space<hbm>>
      %dma_wait3A_62 = tpu.memref_squeeze %dma_wait3A : memref<1x256xi32, #tpu.memory_space<hbm>> -> memref<256xi32, #tpu.memory_space<hbm>>
      %dma_wait3A_63 = tpu.memref_slice %arg2[%select_n3A, %mul3A_34] : memref<4x2048xi32, #tpu.memory_space<hbm>> -> memref<1x256xi32, #tpu.memory_space<hbm>>
      %dma_wait3A_64 = tpu.memref_squeeze %dma_wait3A_63 : memref<1x256xi32, #tpu.memory_space<hbm>> -> memref<256xi32, #tpu.memory_space<hbm>>
      tpu.wait_dma2 semaphore(%run_scoped3A : memref<!tpu.dma_semaphore, #tpu.memory_space<semaphore_mem>>) src(%dma_wait3A_64 : memref<256xi32, #tpu.memory_space<hbm>>) dst(%arg5 : memref<256xi32, #tpu.memory_space<vmem>>)
      tpu.yield
    }) : () -> ()
    %dma_start3A = arith.constant 0 : i32
    %dma_start3A_35 = tpu.memref_slice %arg5[%dma_start3A] : memref<256xi32, #tpu.memory_space<vmem>> -> memref<16xi32, #tpu.memory_space<vmem>>
    %dma_start3A_36 = arith.constant 0 : i32
    %dma_start3A_37 = arith.constant 0 : i32
    %dma_start3A_38 = tpu.memref_slice %arg3[%dma_start3A_36, %dma_start3A_37] : memref<4096x1024xf32, #tpu.memory_space<hbm>> -> memref<4096x1024xf32, #tpu.memory_space<hbm>>
    tpu.enqueue_indirect_dma source(%dma_start3A_38 : memref<4096x1024xf32, #tpu.memory_space<hbm>>) target(%arg6 : memref<16x1024xf32, #tpu.memory_space<vmem>>) offsets(%dma_start3A_35 : memref<16xi32, #tpu.memory_space<vmem>>) semaphore(%arg10 : memref<!tpu.dma_semaphore, #tpu.memory_space<semaphore_mem>>)
    %dma_start3A_39 = arith.constant 16 : i32
    %dma_start3A_40 = tpu.memref_slice %arg5[%dma_start3A_39] : memref<256xi32, #tpu.memory_space<vmem>> -> memref<16xi32, #tpu.memory_space<vmem>>
    %dma_start3A_41 = arith.constant 0 : i32
    %dma_start3A_42 = arith.constant 0 : i32
    %dma_start3A_43 = tpu.memref_slice %arg3[%dma_start3A_41, %dma_start3A_42] : memref<4096x1024xf32, #tpu.memory_space<hbm>> -> memref<4096x1024xf32, #tpu.memory_space<hbm>>
    tpu.enqueue_indirect_dma source(%dma_start3A_43 : memref<4096x1024xf32, #tpu.memory_space<hbm>>) target(%arg7 : memref<16x1024xf32, #tpu.memory_space<vmem>>) offsets(%dma_start3A_40 : memref<16xi32, #tpu.memory_space<vmem>>) semaphore(%arg10 : memref<!tpu.dma_semaphore, #tpu.memory_space<semaphore_mem>>)
    %dma_start3A_44 = arith.constant 32 : i32
    %dma_start3A_45 = tpu.memref_slice %arg5[%dma_start3A_44] : memref<256xi32, #tpu.memory_space<vmem>> -> memref<16xi32, #tpu.memory_space<vmem>>
    %dma_start3A_46 = arith.constant 0 : i32
    %dma_start3A_47 = arith.constant 0 : i32
    %dma_start3A_48 = tpu.memref_slice %arg3[%dma_start3A_46, %dma_start3A_47] : memref<4096x1024xf32, #tpu.memory_space<hbm>> -> memref<4096x1024xf32, #tpu.memory_space<hbm>>
    tpu.enqueue_indirect_dma source(%dma_start3A_48 : memref<4096x1024xf32, #tpu.memory_space<hbm>>) target(%arg8 : memref<16x1024xf32, #tpu.memory_space<vmem>>) offsets(%dma_start3A_45 : memref<16xi32, #tpu.memory_space<vmem>>) semaphore(%arg10 : memref<!tpu.dma_semaphore, #tpu.memory_space<semaphore_mem>>)
    %dma_start3A_49 = arith.constant 48 : i32
    %dma_start3A_50 = tpu.memref_slice %arg5[%dma_start3A_49] : memref<256xi32, #tpu.memory_space<vmem>> -> memref<16xi32, #tpu.memory_space<vmem>>
    %dma_start3A_51 = arith.constant 0 : i32
    %dma_start3A_52 = arith.constant 0 : i32
    %dma_start3A_53 = tpu.memref_slice %arg3[%dma_start3A_51, %dma_start3A_52] : memref<4096x1024xf32, #tpu.memory_space<hbm>> -> memref<4096x1024xf32, #tpu.memory_space<hbm>>
    tpu.enqueue_indirect_dma source(%dma_start3A_53 : memref<4096x1024xf32, #tpu.memory_space<hbm>>) target(%arg9 : memref<16x1024xf32, #tpu.memory_space<vmem>>) offsets(%dma_start3A_50 : memref<16xi32, #tpu.memory_space<vmem>>) semaphore(%arg10 : memref<!tpu.dma_semaphore, #tpu.memory_space<semaphore_mem>>)
    %scan3A = arith.constant 0 : i32
    %scan3A_54 = arith.constant 4 : i32
    %scan3A_55 = arith.addi %scan3A, %scan3A_54 : i32
    %scan3A_56 = arith.constant 1 : i32
    scf.for %scan3A_58 = %scan3A to %scan3A_55 step %scan3A_56  : i32 {
      %mul3A_59 = arith.constant 4 : i32
      %mul3A_60 = arith.muli %scan3A_58, %mul3A_59 : i32
      %add3A_61 = arith.constant 0 : i32
      %add3A_62 = arith.addi %add3A_61, %mul3A_60 : i32
      %add3A_63 = arith.constant 0 : i32
      %add3A_64 = arith.addi %add3A_62, %add3A_63 : i32
      %dma_wait3A = arith.constant 0 : i32
      %dma_wait3A_65 = arith.constant 0 : i32
      %dma_wait3A_66 = tpu.memref_slice %arg3[%dma_wait3A, %dma_wait3A_65] : memref<4096x1024xf32, #tpu.memory_space<hbm>> -> memref<16x1024xf32, #tpu.memory_space<hbm>>
      %dma_wait3A_67 = arith.constant 0 : i32
      %dma_wait3A_68 = arith.constant 0 : i32
      %dma_wait3A_69 = tpu.memref_slice %arg3[%dma_wait3A_67, %dma_wait3A_68] : memref<4096x1024xf32, #tpu.memory_space<hbm>> -> memref<16x1024xf32, #tpu.memory_space<hbm>>
      tpu.wait_dma2 semaphore(%arg10 : memref<!tpu.dma_semaphore, #tpu.memory_space<semaphore_mem>>) src(%dma_wait3A_69 : memref<16x1024xf32, #tpu.memory_space<hbm>>) dst(%arg6 : memref<16x1024xf32, #tpu.memory_space<vmem>>)
      %mul3A_70 = arith.constant 16 : i32
      %mul3A_71 = arith.muli %add3A_64, %mul3A_70 : i32
      %add3A_72 = arith.addi %mul3A_2, %mul3A_71 : i32
      %dma_start3A_73 = arith.constant 0 : i32
      %dma_start3A_74 = tpu.memref_slice %arg4[%add3A_72, %dma_start3A_73] : memref<8192x1024xf32, #tpu.memory_space<hbm>> -> memref<16x1024xf32, #tpu.memory_space<hbm>>
      %dma_start3A_75 = arith.constant 0 : i32
      %dma_start3A_76 = tpu.memref_slice %arg4[%add3A_72, %dma_start3A_75] : memref<8192x1024xf32, #tpu.memory_space<hbm>> -> memref<16x1024xf32, #tpu.memory_space<hbm>>
      tpu.enqueue_dma source(%arg6 : memref<16x1024xf32, #tpu.memory_space<vmem>>) target(%dma_start3A_76 : memref<16x1024xf32, #tpu.memory_space<hbm>>) target_semaphore(%arg11 : memref<!tpu.dma_semaphore, #tpu.memory_space<semaphore_mem>>)
      %dma_wait3A_77 = arith.constant 0 : i32
      %dma_wait3A_78 = tpu.memref_slice %arg4[%add3A_72, %dma_wait3A_77] : memref<8192x1024xf32, #tpu.memory_space<hbm>> -> memref<16x1024xf32, #tpu.memory_space<hbm>>
      %dma_wait3A_79 = arith.constant 0 : i32
      %dma_wait3A_80 = tpu.memref_slice %arg4[%add3A_72, %dma_wait3A_79] : memref<8192x1024xf32, #tpu.memory_space<hbm>> -> memref<16x1024xf32, #tpu.memory_space<hbm>>
      tpu.wait_dma2 semaphore(%arg11 : memref<!tpu.dma_semaphore, #tpu.memory_space<semaphore_mem>>) src(%arg6 : memref<16x1024xf32, #tpu.memory_space<vmem>>) dst(%dma_wait3A_80 : memref<16x1024xf32, #tpu.memory_space<hbm>>)
      %add3A_81 = arith.constant 4 : i32
      %add3A_82 = arith.addi %add3A_64, %add3A_81 : i32
      %lt3A_83 = arith.constant 16 : i32
      %lt3A_84 = arith.cmpi slt, %add3A_82, %lt3A_83 : i32
      %convert_element_type3A = arith.extui %lt3A_84 : i1 to i32
      %cond3A = arith.constant 0 : i32
      %cond3A_85 = arith.cmpi ne, %convert_element_type3A, %cond3A : i32
      scf.if %cond3A_85 {
        %add3A_164 = arith.constant 4 : i32
        %add3A_165 = arith.addi %add3A_64, %add3A_164 : i32
        %mul3A_166 = arith.constant 16 : i32
        %mul3A_167 = arith.muli %add3A_165, %mul3A_166 : i32
        %dma_start3A_168 = tpu.memref_slice %arg5[%mul3A_167] : memref<256xi32, #tpu.memory_space<vmem>> -> memref<16xi32, #tpu.memory_space<vmem>>
        %dma_start3A_169 = arith.constant 0 : i32
        %dma_start3A_170 = arith.constant 0 : i32
        %dma_start3A_171 = tpu.memref_slice %arg3[%dma_start3A_169, %dma_start3A_170] : memref<4096x1024xf32, #tpu.memory_space<hbm>> -> memref<4096x1024xf32, #tpu.memory_space<hbm>>
        tpu.enqueue_indirect_dma source(%dma_start3A_171 : memref<4096x1024xf32, #tpu.memory_space<hbm>>) target(%arg6 : memref<16x1024xf32, #tpu.memory_space<vmem>>) offsets(%dma_start3A_168 : memref<16xi32, #tpu.memory_space<vmem>>) semaphore(%arg10 : memref<!tpu.dma_semaphore, #tpu.memory_space<semaphore_mem>>)
      } else {
      }
      %add3A_86 = arith.constant 1 : i32
      %add3A_87 = arith.addi %add3A_62, %add3A_86 : i32
      %dma_wait3A_88 = arith.constant 0 : i32
      %dma_wait3A_89 = arith.constant 0 : i32
      %dma_wait3A_90 = tpu.memref_slice %arg3[%dma_wait3A_88, %dma_wait3A_89] : memref<4096x1024xf32, #tpu.memory_space<hbm>> -> memref<16x1024xf32, #tpu.memory_space<hbm>>
      %dma_wait3A_91 = arith.constant 0 : i32
      %dma_wait3A_92 = arith.constant 0 : i32
      %dma_wait3A_93 = tpu.memref_slice %arg3[%dma_wait3A_91, %dma_wait3A_92] : memref<4096x1024xf32, #tpu.memory_space<hbm>> -> memref<16x1024xf32, #tpu.memory_space<hbm>>
      tpu.wait_dma2 semaphore(%arg10 : memref<!tpu.dma_semaphore, #tpu.memory_space<semaphore_mem>>) src(%dma_wait3A_93 : memref<16x1024xf32, #tpu.memory_space<hbm>>) dst(%arg7 : memref<16x1024xf32, #tpu.memory_space<vmem>>)
      %mul3A_94 = arith.constant 16 : i32
      %mul3A_95 = arith.muli %add3A_87, %mul3A_94 : i32
      %add3A_96 = arith.addi %mul3A_2, %mul3A_95 : i32
      %dma_start3A_97 = arith.constant 0 : i32
      %dma_start3A_98 = tpu.memref_slice %arg4[%add3A_96, %dma_start3A_97] : memref<8192x1024xf32, #tpu.memory_space<hbm>> -> memref<16x1024xf32, #tpu.memory_space<hbm>>
      %dma_start3A_99 = arith.constant 0 : i32
      %dma_start3A_100 = tpu.memref_slice %arg4[%add3A_96, %dma_start3A_99] : memref<8192x1024xf32, #tpu.memory_space<hbm>> -> memref<16x1024xf32, #tpu.memory_space<hbm>>
      tpu.enqueue_dma source(%arg7 : memref<16x1024xf32, #tpu.memory_space<vmem>>) target(%dma_start3A_100 : memref<16x1024xf32, #tpu.memory_space<hbm>>) target_semaphore(%arg11 : memref<!tpu.dma_semaphore, #tpu.memory_space<semaphore_mem>>)
      %dma_wait3A_101 = arith.constant 0 : i32
      %dma_wait3A_102 = tpu.memref_slice %arg4[%add3A_96, %dma_wait3A_101] : memref<8192x1024xf32, #tpu.memory_space<hbm>> -> memref<16x1024xf32, #tpu.memory_space<hbm>>
      %dma_wait3A_103 = arith.constant 0 : i32
      %dma_wait3A_104 = tpu.memref_slice %arg4[%add3A_96, %dma_wait3A_103] : memref<8192x1024xf32, #tpu.memory_space<hbm>> -> memref<16x1024xf32, #tpu.memory_space<hbm>>
      tpu.wait_dma2 semaphore(%arg11 : memref<!tpu.dma_semaphore, #tpu.memory_space<semaphore_mem>>) src(%arg7 : memref<16x1024xf32, #tpu.memory_space<vmem>>) dst(%dma_wait3A_104 : memref<16x1024xf32, #tpu.memory_space<hbm>>)
      %add3A_105 = arith.constant 4 : i32
      %add3A_106 = arith.addi %add3A_87, %add3A_105 : i32
      %lt3A_107 = arith.constant 16 : i32
      %lt3A_108 = arith.cmpi slt, %add3A_106, %lt3A_107 : i32
      %convert_element_type3A_109 = arith.extui %lt3A_108 : i1 to i32
      %cond3A_110 = arith.constant 0 : i32
      %cond3A_111 = arith.cmpi ne, %convert_element_type3A_109, %cond3A_110 : i32
      scf.if %cond3A_111 {
        %add3A_164 = arith.constant 4 : i32
        %add3A_165 = arith.addi %add3A_87, %add3A_164 : i32
        %mul3A_166 = arith.constant 16 : i32
        %mul3A_167 = arith.muli %add3A_165, %mul3A_166 : i32
        %dma_start3A_168 = tpu.memref_slice %arg5[%mul3A_167] : memref<256xi32, #tpu.memory_space<vmem>> -> memref<16xi32, #tpu.memory_space<vmem>>
        %dma_start3A_169 = arith.constant 0 : i32
        %dma_start3A_170 = arith.constant 0 : i32
        %dma_start3A_171 = tpu.memref_slice %arg3[%dma_start3A_169, %dma_start3A_170] : memref<4096x1024xf32, #tpu.memory_space<hbm>> -> memref<4096x1024xf32, #tpu.memory_space<hbm>>
        tpu.enqueue_indirect_dma source(%dma_start3A_171 : memref<4096x1024xf32, #tpu.memory_space<hbm>>) target(%arg7 : memref<16x1024xf32, #tpu.memory_space<vmem>>) offsets(%dma_start3A_168 : memref<16xi32, #tpu.memory_space<vmem>>) semaphore(%arg10 : memref<!tpu.dma_semaphore, #tpu.memory_space<semaphore_mem>>)
      } else {
      }
      %add3A_112 = arith.constant 2 : i32
      %add3A_113 = arith.addi %add3A_62, %add3A_112 : i32
      %dma_wait3A_114 = arith.constant 0 : i32
      %dma_wait3A_115 = arith.constant 0 : i32
      %dma_wait3A_116 = tpu.memref_slice %arg3[%dma_wait3A_114, %dma_wait3A_115] : memref<4096x1024xf32, #tpu.memory_space<hbm>> -> memref<16x1024xf32, #tpu.memory_space<hbm>>
      %dma_wait3A_117 = arith.constant 0 : i32
      %dma_wait3A_118 = arith.constant 0 : i32
      %dma_wait3A_119 = tpu.memref_slice %arg3[%dma_wait3A_117, %dma_wait3A_118] : memref<4096x1024xf32, #tpu.memory_space<hbm>> -> memref<16x1024xf32, #tpu.memory_space<hbm>>
      tpu.wait_dma2 semaphore(%arg10 : memref<!tpu.dma_semaphore, #tpu.memory_space<semaphore_mem>>) src(%dma_wait3A_119 : memref<16x1024xf32, #tpu.memory_space<hbm>>) dst(%arg8 : memref<16x1024xf32, #tpu.memory_space<vmem>>)
      %mul3A_120 = arith.constant 16 : i32
      %mul3A_121 = arith.muli %add3A_113, %mul3A_120 : i32
      %add3A_122 = arith.addi %mul3A_2, %mul3A_121 : i32
      %dma_start3A_123 = arith.constant 0 : i32
      %dma_start3A_124 = tpu.memref_slice %arg4[%add3A_122, %dma_start3A_123] : memref<8192x1024xf32, #tpu.memory_space<hbm>> -> memref<16x1024xf32, #tpu.memory_space<hbm>>
      %dma_start3A_125 = arith.constant 0 : i32
      %dma_start3A_126 = tpu.memref_slice %arg4[%add3A_122, %dma_start3A_125] : memref<8192x1024xf32, #tpu.memory_space<hbm>> -> memref<16x1024xf32, #tpu.memory_space<hbm>>
      tpu.enqueue_dma source(%arg8 : memref<16x1024xf32, #tpu.memory_space<vmem>>) target(%dma_start3A_126 : memref<16x1024xf32, #tpu.memory_space<hbm>>) target_semaphore(%arg11 : memref<!tpu.dma_semaphore, #tpu.memory_space<semaphore_mem>>)
      %dma_wait3A_127 = arith.constant 0 : i32
      %dma_wait3A_128 = tpu.memref_slice %arg4[%add3A_122, %dma_wait3A_127] : memref<8192x1024xf32, #tpu.memory_space<hbm>> -> memref<16x1024xf32, #tpu.memory_space<hbm>>
      %dma_wait3A_129 = arith.constant 0 : i32
      %dma_wait3A_130 = tpu.memref_slice %arg4[%add3A_122, %dma_wait3A_129] : memref<8192x1024xf32, #tpu.memory_space<hbm>> -> memref<16x1024xf32, #tpu.memory_space<hbm>>
      tpu.wait_dma2 semaphore(%arg11 : memref<!tpu.dma_semaphore, #tpu.memory_space<semaphore_mem>>) src(%arg8 : memref<16x1024xf32, #tpu.memory_space<vmem>>) dst(%dma_wait3A_130 : memref<16x1024xf32, #tpu.memory_space<hbm>>)
      %add3A_131 = arith.constant 4 : i32
      %add3A_132 = arith.addi %add3A_113, %add3A_131 : i32
      %lt3A_133 = arith.constant 16 : i32
      %lt3A_134 = arith.cmpi slt, %add3A_132, %lt3A_133 : i32
      %convert_element_type3A_135 = arith.extui %lt3A_134 : i1 to i32
      %cond3A_136 = arith.constant 0 : i32
      %cond3A_137 = arith.cmpi ne, %convert_element_type3A_135, %cond3A_136 : i32
      scf.if %cond3A_137 {
        %add3A_164 = arith.constant 4 : i32
        %add3A_165 = arith.addi %add3A_113, %add3A_164 : i32
        %mul3A_166 = arith.constant 16 : i32
        %mul3A_167 = arith.muli %add3A_165, %mul3A_166 : i32
        %dma_start3A_168 = tpu.memref_slice %arg5[%mul3A_167] : memref<256xi32, #tpu.memory_space<vmem>> -> memref<16xi32, #tpu.memory_space<vmem>>
        %dma_start3A_169 = arith.constant 0 : i32
        %dma_start3A_170 = arith.constant 0 : i32
        %dma_start3A_171 = tpu.memref_slice %arg3[%dma_start3A_169, %dma_start3A_170] : memref<4096x1024xf32, #tpu.memory_space<hbm>> -> memref<4096x1024xf32, #tpu.memory_space<hbm>>
        tpu.enqueue_indirect_dma source(%dma_start3A_171 : memref<4096x1024xf32, #tpu.memory_space<hbm>>) target(%arg8 : memref<16x1024xf32, #tpu.memory_space<vmem>>) offsets(%dma_start3A_168 : memref<16xi32, #tpu.memory_space<vmem>>) semaphore(%arg10 : memref<!tpu.dma_semaphore, #tpu.memory_space<semaphore_mem>>)
      } else {
      }
      %add3A_138 = arith.constant 3 : i32
      %add3A_139 = arith.addi %add3A_62, %add3A_138 : i32
      %dma_wait3A_140 = arith.constant 0 : i32
      %dma_wait3A_141 = arith.constant 0 : i32
      %dma_wait3A_142 = tpu.memref_slice %arg3[%dma_wait3A_140, %dma_wait3A_141] : memref<4096x1024xf32, #tpu.memory_space<hbm>> -> memref<16x1024xf32, #tpu.memory_space<hbm>>
      %dma_wait3A_143 = arith.constant 0 : i32
      %dma_wait3A_144 = arith.constant 0 : i32
      %dma_wait3A_145 = tpu.memref_slice %arg3[%dma_wait3A_143, %dma_wait3A_144] : memref<4096x1024xf32, #tpu.memory_space<hbm>> -> memref<16x1024xf32, #tpu.memory_space<hbm>>
      tpu.wait_dma2 semaphore(%arg10 : memref<!tpu.dma_semaphore, #tpu.memory_space<semaphore_mem>>) src(%dma_wait3A_145 : memref<16x1024xf32, #tpu.memory_space<hbm>>) dst(%arg9 : memref<16x1024xf32, #tpu.memory_space<vmem>>)
      %mul3A_146 = arith.constant 16 : i32
      %mul3A_147 = arith.muli %add3A_139, %mul3A_146 : i32
      %add3A_148 = arith.addi %mul3A_2, %mul3A_147 : i32
      %dma_start3A_149 = arith.constant 0 : i32
      %dma_start3A_150 = tpu.memref_slice %arg4[%add3A_148, %dma_start3A_149] : memref<8192x1024xf32, #tpu.memory_space<hbm>> -> memref<16x1024xf32, #tpu.memory_space<hbm>>
      %dma_start3A_151 = arith.constant 0 : i32
      %dma_start3A_152 = tpu.memref_slice %arg4[%add3A_148, %dma_start3A_151] : memref<8192x1024xf32, #tpu.memory_space<hbm>> -> memref<16x1024xf32, #tpu.memory_space<hbm>>
      tpu.enqueue_dma source(%arg9 : memref<16x1024xf32, #tpu.memory_space<vmem>>) target(%dma_start3A_152 : memref<16x1024xf32, #tpu.memory_space<hbm>>) target_semaphore(%arg11 : memref<!tpu.dma_semaphore, #tpu.memory_space<semaphore_mem>>)
      %dma_wait3A_153 = arith.constant 0 : i32
      %dma_wait3A_154 = tpu.memref_slice %arg4[%add3A_148, %dma_wait3A_153] : memref<8192x1024xf32, #tpu.memory_space<hbm>> -> memref<16x1024xf32, #tpu.memory_space<hbm>>
      %dma_wait3A_155 = arith.constant 0 : i32
      %dma_wait3A_156 = tpu.memref_slice %arg4[%add3A_148, %dma_wait3A_155] : memref<8192x1024xf32, #tpu.memory_space<hbm>> -> memref<16x1024xf32, #tpu.memory_space<hbm>>
      tpu.wait_dma2 semaphore(%arg11 : memref<!tpu.dma_semaphore, #tpu.memory_space<semaphore_mem>>) src(%arg9 : memref<16x1024xf32, #tpu.memory_space<vmem>>) dst(%dma_wait3A_156 : memref<16x1024xf32, #tpu.memory_space<hbm>>)
      %add3A_157 = arith.constant 4 : i32
      %add3A_158 = arith.addi %add3A_139, %add3A_157 : i32
      %lt3A_159 = arith.constant 16 : i32
      %lt3A_160 = arith.cmpi slt, %add3A_158, %lt3A_159 : i32
      %convert_element_type3A_161 = arith.extui %lt3A_160 : i1 to i32
      %cond3A_162 = arith.constant 0 : i32
      %cond3A_163 = arith.cmpi ne, %convert_element_type3A_161, %cond3A_162 : i32
      scf.if %cond3A_163 {
        %add3A_164 = arith.constant 4 : i32
        %add3A_165 = arith.addi %add3A_139, %add3A_164 : i32
        %mul3A_166 = arith.constant 16 : i32
        %mul3A_167 = arith.muli %add3A_165, %mul3A_166 : i32
        %dma_start3A_168 = tpu.memref_slice %arg5[%mul3A_167] : memref<256xi32, #tpu.memory_space<vmem>> -> memref<16xi32, #tpu.memory_space<vmem>>
        %dma_start3A_169 = arith.constant 0 : i32
        %dma_start3A_170 = arith.constant 0 : i32
        %dma_start3A_171 = tpu.memref_slice %arg3[%dma_start3A_169, %dma_start3A_170] : memref<4096x1024xf32, #tpu.memory_space<hbm>> -> memref<4096x1024xf32, #tpu.memory_space<hbm>>
        tpu.enqueue_indirect_dma source(%dma_start3A_171 : memref<4096x1024xf32, #tpu.memory_space<hbm>>) target(%arg9 : memref<16x1024xf32, #tpu.memory_space<vmem>>) offsets(%dma_start3A_168 : memref<16xi32, #tpu.memory_space<vmem>>) semaphore(%arg10 : memref<!tpu.dma_semaphore, #tpu.memory_space<semaphore_mem>>)
      } else {
      }
    }
    %scan3A_57 = arith.constant 4 : i32
    return
  }
}

</mosaic_0001>

<sc_bundles>
// kernel: kernel.3.cloned.1.call-start
scs
__scs_entry_jumppad:
0x0: {  	(pc) =	sbr.rel $0x88, $3  }
0x1: {  	(tag) =	ssettag $0x0;
	lr =	simm.s32 $0x1  }
0x2: {  	[smem:$0x3F9F] =	sst lr;
	_ =	strace $0xD0000000  }
0x3: {  	_ = 	snop  }
0x4: {  	_ = 	snop  }
0x5: {  	_ = 	snop  }
0x6: {  	_ = 	snop  }
0x7: {  	_ = 	snop  }
__scs_overlays_trampoline_lowered:
0x8: {  	[smem:$0x3FAE] =	sst s0  }
0x9: {  	[smem:$0x3FAF] =	sst s1  }
0xa: {  	[smem:$0x3FB0] =	sst s2  }
0xb: {  	[smem:$0x3FB1] =	sst s3  }
0xc: {  	[smem:$0x3FB2] =	sst s4  }
0xd: {  	[smem:$0x3FB3] =	sst s5  }
0xe: {  	[smem:$0x3FB4] =	sst s6  }
0xf: {  	[smem:$0x3FB5] =	sst s7  }
0x10: {  	[smem:$0x3FB6] =	sst s8  }
0x11: {  	[smem:$0x3FB7] =	sst s9;
	s0 =	simm.s32 @!p0 $0x0  }
0x12: {  	s1 =	sld [smem:$0x3F9D];
	s0 =	simm.s32 @p0 $0x1  }
0x13: {  	[smem:$0x3FB8] =	sst s0;
	s0 =	simm.s32 @!p1 $0x0  }
0x14: {  	s2 =	sld [smem:$0x3F9C];
	s0 =	simm.s32 @p1 $0x1  }
0x15: {  	[smem:$0x3FB9] =	sst s0;
	s0 =	simm.s32 @!p2 $0x0  }
0x16: {  	s3 =	sld [smem:$0x3FDB];
	s0 =	simm.s32 @p2 $0x1  }
0x17: {  	s4 =	simm.s32 $0x1BF5;
	[smem:$0x3FBB] =	sst s0  }
0x18: {  	s0 =	sld [smem:$0x3F9E];
	_ =	swait.ge [sflag:s4], $0x0  }
0x19: {  	s7 =	sld [smem:$0x3F9F]  }
0x1a: {  	s8 =	sadd.s32 $0xFFFFE003, lr  }
0x1b: {  	s9 =	sadd.s32 $0xFFFFFEF7, lr;
	s5 =	simm.s32 $0xFFFFFFFF;
	p2 =	slt.u32 s8, $0xFFFFF086  }
0x1c: {  	p1 =	slt.u32 s9, $0xF7A;
	s5 =	simm.s32 @!p2 $0x0  }
0x1d: {  	s5 =	simm.s32 @p1 $0x1;
	p0 =	seq.s32 s7, s2  }
0x1e: {  	s7 =	smul.u32 @!p0 $0xF7A, s2;
	p2 =	seq.s32 @!p0 s5, $0x0  }
0x1f: {  	s9 =	smul.u32 $0xF7A, s1;
	s8 =	simm.s32 @!p0 $0x1BF5;
	p2 =	por !p2, p0  }
0x20: {  	[sflag:s8] =	ssyncset.s32 @!p0 $0xFFFFF086;
	s6 =	sadd.s32 @!p0 s3, s7;
	s7 =	simm.s32 @!p0 $0x108  }
0x21: {  	s3 =	sadd.s32 s3, s9;
	s6 =	sadd.s32 @!p0 $0x88, s6;
	s7 =	simm.s32 @p2 $0x1082  }
0x22: {  	[simem:s7], [sflag:s8] =	dma.local @!p0 [hbm:s6], $0xF7A  }
0x23: {  	s9 =	sor.u32 $0xD0000000, s2;
	s6 =	simm.s32 $0x108;
	_ =	swait.ge @!p0 [sflag:s8], $0x0  }
0x24: {  	s3 =	sadd.s32 $0x88, s3;
	s6 =	simm.s32 @!p1 $0x1082;
	[sflag:s4] =	ssyncset.s32 $0xFFFFF086  }
0x25: {  	[simem:s6], [sflag:s4] =	dma.local [hbm:s3], $0xF7A  }
0x26: {  	[smem:$0x3F9F] =	sst s1;
	(tag) =	ssettag s2;
	_ =	strace s9  }
0x27: {  	s1 =	sld [smem:$0x3FAF]  }
0x28: {  	s2 =	sld [smem:$0x3FB0]  }
0x29: {  	s4 =	sld [smem:$0x3FB2]  }
0x2a: {  	p0 =	seq.s32 s5, $0x0;
	s5 =	sld [smem:$0x3FB3]  }
0x2b: {  	s6 =	sld [smem:$0x3FB4]  }
0x2c: {  	s7 =	sld [smem:$0x3FB5]  }
0x2d: {  	s3 =	simm.s32 $0x108;
	s8 =	sld [smem:$0x3FB6]  }
0x2e: {  	s3 =	simm.s32 @!p0 $0x1082;
	s9 =	sld [smem:$0x3FB7]  }
0x2f: {  	lr =	sadd.s32 s0, s3;
	s0 =	sld [smem:$0x3FAE]  }
0x30: {  	s3 =	sld [smem:$0x3FB1]  }
0x31: {  	[smem:$0x3FBA] =	sst s10  }
0x32: {  	s10 =	sld [smem:$0x3FB8];
	_ =	sdelay $0x3  }
0x33: {  	p0 =	seq.s32 s10, $0x1;
	s10 =	sld [smem:$0x3FBA];
	_ =	sdelay $0x3  }
0x34: {  	[smem:$0x3FBA] =	sst s10  }
0x35: {  	s10 =	sld [smem:$0x3FB9];
	_ =	sdelay $0x3  }
0x36: {  	p1 =	seq.s32 s10, $0x1;
	s10 =	sld [smem:$0x3FBA];
	_ =	sdelay $0x3  }
0x37: {  	[smem:$0x3FBA] =	sst s10  }
0x38: {  	s10 =	sld [smem:$0x3FBB]  }
0x39: {  	_ = 	snop;
	(pc) =	sbr.ind lr, $3  }
0x3a: {  	_ = 	snop  }
0x3b: {  	_ = 	snop  }
0x3c: {  	p2 =	seq.s32 s10, $0x1;
	s10 =	sld [smem:$0x3FBA]  }
0x3d: {  	_ =	shalt  }
0x3e: {  	_ =	shalt  }
0x3f: {  	_ =	shalt  }
0x40: {  	_ =	shalt  }
0x41: {  	_ =	shalt  }
0x42: {  	_ =	shalt  }
0x43: {  	_ =	shalt  }
0x44: {  	_ =	shalt  }
0x45: {  	_ =	shalt  }
0x46: {  	_ =	shalt  }
0x47: {  	_ =	shalt  }
0x48: {  	_ =	shalt  }
0x49: {  	_ =	shalt  }
0x4a: {  	_ =	shalt  }
0x4b: {  	_ =	shalt  }
0x4c: {  	_ =	shalt  }
0x4d: {  	_ =	shalt  }
0x4e: {  	_ =	shalt  }
0x4f: {  	_ =	shalt  }
0x50: {  	_ =	shalt  }
0x51: {  	_ =	shalt  }
0x52: {  	_ =	shalt  }
0x53: {  	_ =	shalt  }
0x54: {  	_ =	shalt  }
0x55: {  	_ =	shalt  }
0x56: {  	_ =	shalt  }
0x57: {  	_ =	shalt  }
0x58: {  	_ =	shalt  }
0x59: {  	_ =	shalt  }
0x5a: {  	_ =	shalt  }
0x5b: {  	_ =	shalt  }
0x5c: {  	_ =	shalt  }
0x5d: {  	_ =	shalt  }
0x5e: {  	_ =	shalt  }
0x5f: {  	_ =	shalt  }
0x60: {  	_ =	shalt  }
0x61: {  	_ =	shalt  }
0x62: {  	_ =	shalt  }
0x63: {  	_ =	shalt  }
0x64: {  	_ =	shalt  }
0x65: {  	_ =	shalt  }
0x66: {  	_ =	shalt  }
0x67: {  	_ =	shalt  }
0x68: {  	_ =	shalt  }
0x69: {  	_ =	shalt  }
0x6a: {  	_ =	shalt  }
0x6b: {  	_ =	shalt  }
0x6c: {  	_ =	shalt  }
0x6d: {  	_ =	shalt  }
0x6e: {  	_ =	shalt  }
0x6f: {  	_ =	shalt  }
0x70: {  	_ =	shalt  }
0x71: {  	_ =	shalt  }
0x72: {  	_ =	shalt  }
0x73: {  	_ =	shalt  }
0x74: {  	_ =	shalt  }
0x75: {  	_ =	shalt  }
0x76: {  	_ =	shalt  }
0x77: {  	_ =	shalt  }
0x78: {  	_ =	shalt  }
0x79: {  	_ =	shalt  }
0x7a: {  	_ =	shalt  }
0x7b: {  	_ =	shalt  }
0x7c: {  	_ =	shalt  }
0x7d: {  	_ =	shalt  }
0x7e: {  	_ =	shalt  }
0x7f: {  	_ =	shalt  }
0x80: {  	_ =	shalt  }
0x81: {  	_ =	shalt  }
0x82: {  	_ =	shalt  }
0x83: {  	_ =	shalt  }
0x84: {  	_ =	shalt  }
0x85: {  	_ =	shalt  }
0x86: {  	_ =	shalt  }
0x87: {  	_ =	shalt  }
.Lfunc_end0:
.L_simem_size_0:
called_computation_lowered:
.L_overlay_start_0:
0x88: {  	s2 =	sld [smem:$0x3FD9]  }
0x89: {  	s3 =	sld [smem:$0x3FFE];
	_ =	sdelay $0x1  }
0x8a: {  	s1 =	srdreg.scid  }
0x8b: {  	s0 =	sand.u32 $0x1, s1  }
0x8c: {  	s18 =	sshll.u32 s0, $0xA;
	s2 =	sadd.s32 s3, s2  }
0x8d: {  	s2 =	sadd.s32 s2, s18  }
0x8e: {  	[smem:$0x3FC6] =	sst s2  }
0x8f: {  	_ = 	snop  }
0x90: {  	s2 =	sld [smem:$0x3FC9]  }
0x91: {  	s19 =	sld [smem:$0x3FC8]  }
0x92: {  	s4 =	sld [smem:$0x3FD0];
	(tm) =	ssettm $0x1  }
0x93: {  	s5 =	sld [smem:$0x3FFB];
	_ =	sdelay $0x3  }
0x94: {  	_ =	strace s5  }
0x95: {  	s5 =	sld [smem:$0x3FFC];
	_ =	sdelay $0x3  }
0x96: {  	_ =	strace s5  }
0x97: {  	s5 =	sld [smem:$0x3FFD];
	_ =	sdelay $0x3  }
0x98: {  	_ =	strace s5  }
0x99: {  	_ =	strace $0x8FFFFFFF  }
0x9a: {  	s20 =	sld [smem:$0x3FDB];
	_ =	sdelay $0x1  }
0x9b: {  	s6 =	simm.s32 $_scs_section_size  }
0x9c: {  	s7 =	simm.s32 $_size__tile_overlayer_lowered;
	s8 =	simm.s32 $_tile_overlayer_lowered  }
0x9d: {  	s23 =	simm.s32 $0x1BFF;
	s22 =	sshll.u32 s8, $0x1;
	s5 =	sadd.s32 s6, s20  }
0x9e: {  	s9 =	simm.s32 $0x0;
	s21 =	sshll.u32 s7, $0x1;
	s7 =	sadd.s32 s22, s5  }
0x9f: {  	[timem:s9], [sflag:s23] =	dma.local [hbm:s7], s21  }
0xa0: {  	_ =	swait.ge [sflag:s23], s21  }
0xa1: {  	s6 =	ssub.s32 $0x0, s21;
	[sflag:s23] =	ssyncset.done $0x0  }
0xa2: {  	[sflag:s23] =	ssyncadd.s32 s6;
	_ =	sdelay $0x1  }
0xa3: {  	s24 =	simm.s32 $0x1B8B  }
0xa4: {  	_ =	swait.ge [sflag:s24], $0x1  }
0xa5: {  	[sflag:s24] =	ssyncset.done $0x0  }
0xa6: {  	s25 =	simm.s32 $0x1B8E;
	[sflag:s24] =	ssyncadd.s32 $0xFFFFFFFF  }
0xa7: {  	s26 =	simm.s32 $execute0_lowered;
	[smem:$0x3FD2] =	sst s25  }
0xa8: {  	s6 =	sshll.u32 s26, $0x1;
	_ =	strace $0x80000046;
	[dreg:$0x1] =	wrdreg $0xFFFFFFFF  }
0xa9: {  	s28 =	simm.s32 $_size_execute0_lowered;
	s5 =	sadd.s32 s5, s6;
	[dreg:$0x0] =	wrdreg $0x0  }
0xaa: {  	s6 =	sshll.u32 s28, $0x1;
	[dreg:$0x2] =	wrdreg s5  }
0xab: {  	[dreg:$0x3] =	wrdreg s6  }
0xac: {  	[dreg:$0x4] =	wrdreg $0xC0  }
0xad: {  	_ =	task [dreg:s9], $0x5FFFF  }
0xae: {  	[dreg:$0x1] =	wrdreg $0xFFFFFFFF  }
0xaf: {  	[dreg:$0x0] =	wrdreg $0x60  }
0xb0: {  	[dreg:$0x2] =	wrdreg s2  }
0xb1: {  	[dreg:$0x3] =	wrdreg s19  }
0xb2: {  	[dreg:$0x4] =	wrdreg s4  }
0xb3: {  	[dreg:$0x5] =	wrdreg $0x9  }
0xb4: {  	_ =	task.clear_ibuf [dreg:s9], $0x6FFFF;
	_ =	strace $0x90000046  }
0xb5: {  	s29 =	simm.s32 $0x9;
	_ =	strace $0x80000048  }
0xb6: {  	_ =	swait.ge [sflag:s29], $0x1  }
0xb7: {  	[sflag:s29] =	ssyncadd.s32 $0xFFFFFFFF  }
0xb8: {  	_ =	strace $0x90000048  }
0xb9: {  	_ =	sfence  }
0xba: {  	s30 =	sld [smem:$0x0];
	_ =	sdelay $0x2  }
0xbb: {  	s31 =	sshll.u32 s1, $0xD;
	s1 =	sshrl.u32 s1, $0x2  }
0xbc: {  	s3 =	sand.u32 $0x4000, s31;
	s1 =	sadd.s32 s1, s30  }
0xbd: {  	s0 =	sor.u32 s3, s0;
	s1 =	sshll.u32 s1, $0x11  }
0xbe: {  	s0 =	sor.u32 s1, s0  }
0xbf: {  	s0 =	sadd.s32 $0x8F2B, s0  }
0xc0: {  	[sflag:s0] =	ssyncadd.remote.s32 $0x1  }
0xc1: {  	_ =	sfence.sel $0xFFFF  }
0xc2: {  	[dreg:$0x0] =	wrdreg $0xFFFFFFFF;
	(pc) =	sbr.abs _section_cstart, $3  }
0xc3: {  	[dreg:$0x1] =	wrdreg $0xFFFFFFFF  }
0xc4: {  	_ =	task.clear_ibuf [dreg:s9], $0x2FFFF;
	_ =	strace $0x9FFFFFFF  }
0xc5: {  	(tm) =	ssettm $0x7FFFFFFF  }
tec
execute0_lowered:
.L_overlay_start_1:
0x0: {  	(tag) =	ssettag $0x1  }
0x1: {  	s0 =	rddreg [dreg:$0x0]  }
0x2: {  	s1 =	rddreg [dreg:$0x1]  }
0x3: {  	s2 =	rddreg [dreg:$0x2];
	s3 =	simm.s32 $0x0;
	s4 =	srdreg.scid  }
0x4: {  	s10 =	stileid.u32;
	s12 =	simm.s32 $0x3;
	s13 =	simm.s32 $0x100  }
0x5: {  	s21 =	simm.s32 $0x4100;
	s30 =	simm.s32 $0x8100;
	s11 =	simm.s32 $0xA900  }
0x6: {  	s14 =	simm.s32 $0xB100;
	s15 =	simm.s32 $0xB900;
	s16 =	simm.s32 $0xC100  }
0x7: {  	s17 =	simm.s32 $0xC900;
	s18 =	simm.s32 $0xD100;
	s19 =	simm.s32 $0xD900  }
0x8: {  	s20 =	simm.s32 $0xE100;
	s22 =	simm.s32 $0xE900;
	s23 =	simm.s32 $0xF100  }
0x9: {  	s28 =	simm.s32 $0x0;
	[smem:$0x7FF] =	sst s3;
	s9 =	sand.u32 $0x1, s4  }
0xa: {  	s24 =	sshll.u32 s10, $0x8;
	s6 =	sshll.u32 s10, $0x2;
	s29 =	sshll.u32 s10, $0x10  }
0xb: {  	_ =	strace $0x80000047;
	s5 =	sshll.u32 s9, $0x7;
	s7 =	ssub.s32 $0x2, s9  }
0xc: {  	s25 =	sand.u32 $0x30, s6;
	s6 =	sadd.s32 $0x200, s1;
	s31 =	sshll.u32 s9, $0xF  }
.Ltmp0:
0xd: {  	s4 =	sor.u32 s5, s24;
	s26 =	sshrl.u32 s7, $0x1;
	(pc) =	sbr.rel .LBB2_1-.Ltmp0, $4  }
0xe: {  	s0 =	sadd.s32 s0, s25;
	s5 =	sadd.s32 $0x100, s1;
	s24 =	simm.s32 $0xF900  }
0xf: {  	v2 =	vlaneseq.u32;
	s25 =	simm.s32 $0x1;
	s4 =	sand.u32 $0x380, s4;
	s8 =	ssub.s32 s7, s26  }
0x10: {  	vm0 =	vmmov $0xffff;
	v1 =	vshrl.u32 v2, $0x3;
	s7 =	sadd.s32 $0x300, s1;
	s4 =	sadd.s32 s4, s0;
	s0 =	sadd.s32 s29, s2  }
0x11: {  	v0 =	vand.u32 $0x7, v2;
	v2 =	vor.u32 $0x8, v2;
	v1 =	vmul.u32 $0x8, v1;
	s26 =	simm.s32 $0x2;
	s8 =	smax.u32 s8, $0x1;
	s9 =	sadd.s32 s31, s0  }
.LBB2_4:
0x12: {  	s28 =	sadd.s32 $0x1, s28  }
0x13: {  	p0 =	sne.s32 s28, s8  }
.Ltmp1:
0x14: {  	_ = 	snop;
	(pc) =	sbr.rel @!p0 .LBB2_5-.Ltmp1, $1  }
0x15: {  	_ =	sdelay $0x3  }
.LBB2_1:
0x16: {  	s0 =	simm.s32 $0x80;
	s2 =	simm.s32 $0x200  }
0x17: {  	[tilespmem:s3], [sflag:$0x3] =	stream.strided.gather [hbm4b:s4+s0], $0x100, s2, s0, $0x38;
	[tilespmem:$0x10100] =	vst v63  }
0x18: {  	_ =	swait.ge [sflag:s12], $0x100  }
0x19: {  	[sflag:s12] =	ssyncset.done $0x0  }
0x1a: {  	[sflag:s12] =	ssyncadd.s32 $0xFFFFFF00  }
0x1b: {  	v3 =	vld [tilespmem:$0x0];
	_ =	sdelay $0x4  }
0x1c: {  	v4 =	vshll.u32 v3, $0x3  }
0x1d: {  	v3 =	vand.u32 $0x7, v3;
	v4 =	vand.u32 $0xFFFFFFC0, v4  }
0x1e: {  	v3 =	vor.u32 v3, v4  }
0x1f: {  	v4 =	vperm.xlane v3, v0;
	_ =	sdelay $0x1  }
0x20: {  	v4 =	vadd.s32 v1, v4;
	_ =	sdelay $0x4  }
0x21: {  	[tilespmem:s13], [sflag:$0x1] =	stream.indirect_vreg.gather [hbm4b:s1+s3], $0x80, v4, vm0, $0xb8;
	[tilespmem:$0x10100] =	vst v63  }
0x22: {  	s2 =	simm.s32 $0x900;
	v3 =	vperm.xlane v3, v2  }
0x23: {  	[tilespmem:s2], [sflag:$0x1] =	stream.indirect_vreg.gather [hbm4b:s5+s3], $0x80, v4, vm0, $0xb8;
	[tilespmem:$0x10100] =	vst v63  }
0x24: {  	s10 =	simm.s32 $0x1100;
	v3 =	vadd.s32 v1, v3  }
0x25: {  	[tilespmem:s10], [sflag:$0x1] =	stream.indirect_vreg.gather [hbm4b:s6+s3], $0x80, v4, vm0, $0xb8;
	[tilespmem:$0x10100] =	vst v63  }
0x26: {  	s2 =	simm.s32 $0x1900  }
0x27: {  	[tilespmem:s2], [sflag:$0x1] =	stream.indirect_vreg.gather [hbm4b:s7+s3], $0x80, v4, vm0, $0xb8;
	[tilespmem:$0x10100] =	vst v63  }
0x28: {  	s10 =	simm.s32 $0x2100  }
0x29: {  	[tilespmem:s10], [sflag:$0x1] =	stream.indirect_vreg.gather [hbm4b:s1+s3], $0x80, v3, vm0, $0xb8;
	[tilespmem:$0x10100] =	vst v63  }
0x2a: {  	s2 =	simm.s32 $0x2900  }
0x2b: {  	[tilespmem:s2], [sflag:$0x1] =	stream.indirect_vreg.gather [hbm4b:s5+s3], $0x80, v3, vm0, $0xb8;
	[tilespmem:$0x10100] =	vst v63  }
0x2c: {  	s10 =	simm.s32 $0x3100  }
0x2d: {  	[tilespmem:s10], [sflag:$0x1] =	stream.indirect_vreg.gather [hbm4b:s6+s3], $0x80, v3, vm0, $0xb8;
	[tilespmem:$0x10100] =	vst v63  }
0x2e: {  	s2 =	simm.s32 $0x3900  }
0x2f: {  	[tilespmem:s2], [sflag:$0x1] =	stream.indirect_vreg.gather [hbm4b:s7+s3], $0x80, v3, vm0, $0xb8;
	[tilespmem:$0x10100] =	vst v63  }
0x30: {  	v3 =	vld [tilespmem:$0x10];
	_ =	sdelay $0x4  }
0x31: {  	v61 =	vshll.u32 v3, $0x3  }
0x32: {  	v3 =	vand.u32 $0x7, v3;
	v4 =	vand.u32 $0xFFFFFFC0, v61  }
0x33: {  	v3 =	vor.u32 v3, v4  }
0x34: {  	v4 =	vperm.xlane v3, v0;
	_ =	sdelay $0x1  }
0x35: {  	v4 =	vadd.s32 v1, v4;
	_ =	sdelay $0x4  }
0x36: {  	[tilespmem:s21], [sflag:$0x1] =	stream.indirect_vreg.gather [hbm4b:s1+s3], $0x80, v4, vm0, $0xb8;
	[tilespmem:$0x10100] =	vst v63  }
0x37: {  	s10 =	simm.s32 $0x4900;
	v3 =	vperm.xlane v3, v2  }
0x38: {  	[tilespmem:s10], [sflag:$0x1] =	stream.indirect_vreg.gather [hbm4b:s5+s3], $0x80, v4, vm0, $0xb8;
	[tilespmem:$0x10100] =	vst v63  }
0x39: {  	s2 =	simm.s32 $0x5100;
	v3 =	vadd.s32 v1, v3  }
0x3a: {  	[tilespmem:s2], [sflag:$0x1] =	stream.indirect_vreg.gather [hbm4b:s6+s3], $0x80, v4, vm0, $0xb8;
	[tilespmem:$0x10100] =	vst v63  }
0x3b: {  	s10 =	simm.s32 $0x5900  }
0x3c: {  	[tilespmem:s10], [sflag:$0x1] =	stream.indirect_vreg.gather [hbm4b:s7+s3], $0x80, v4, vm0, $0xb8;
	[tilespmem:$0x10100] =	vst v63  }
0x3d: {  	s2 =	simm.s32 $0x6100  }
0x3e: {  	[tilespmem:s2], [sflag:$0x1] =	stream.indirect_vreg.gather [hbm4b:s1+s3], $0x80, v3, vm0, $0xb8;
	[tilespmem:$0x10100] =	vst v63  }
0x3f: {  	s10 =	simm.s32 $0x6900  }
0x40: {  	[tilespmem:s10], [sflag:$0x1] =	stream.indirect_vreg.gather [hbm4b:s5+s3], $0x80, v3, vm0, $0xb8;
	[tilespmem:$0x10100] =	vst v63  }
0x41: {  	s2 =	simm.s32 $0x7100  }
0x42: {  	[tilespmem:s2], [sflag:$0x1] =	stream.indirect_vreg.gather [hbm4b:s6+s3], $0x80, v3, vm0, $0xb8;
	[tilespmem:$0x10100] =	vst v63  }
0x43: {  	s10 =	simm.s32 $0x7900  }
0x44: {  	[tilespmem:s10], [sflag:$0x1] =	stream.indirect_vreg.gather [hbm4b:s7+s3], $0x80, v3, vm0, $0xb8;
	[tilespmem:$0x10100] =	vst v63  }
0x45: {  	v3 =	vld [tilespmem:$0x20];
	_ =	sdelay $0x4  }
0x46: {  	v62 =	vshll.u32 v3, $0x3  }
0x47: {  	v3 =	vand.u32 $0x7, v3;
	v4 =	vand.u32 $0xFFFFFFC0, v62  }
0x48: {  	v3 =	vor.u32 v3, v4  }
0x49: {  	v4 =	vperm.xlane v3, v0;
	_ =	sdelay $0x1  }
0x4a: {  	v4 =	vadd.s32 v1, v4;
	_ =	sdelay $0x4  }
0x4b: {  	[tilespmem:s30], [sflag:$0x1] =	stream.indirect_vreg.gather [hbm4b:s1+s3], $0x80, v4, vm0, $0xb8;
	[tilespmem:$0x10100] =	vst v63  }
0x4c: {  	s2 =	simm.s32 $0x8900;
	v3 =	vperm.xlane v3, v2  }
0x4d: {  	[tilespmem:s2], [sflag:$0x1] =	stream.indirect_vreg.gather [hbm4b:s5+s3], $0x80, v4, vm0, $0xb8;
	[tilespmem:$0x10100] =	vst v63  }
0x4e: {  	s10 =	simm.s32 $0x9100;
	v3 =	vadd.s32 v1, v3  }
0x4f: {  	[tilespmem:s10], [sflag:$0x1] =	stream.indirect_vreg.gather [hbm4b:s6+s3], $0x80, v4, vm0, $0xb8;
	[tilespmem:$0x10100] =	vst v63  }
0x50: {  	s2 =	simm.s32 $0x9900  }
0x51: {  	[tilespmem:s2], [sflag:$0x1] =	stream.indirect_vreg.gather [hbm4b:s7+s3], $0x80, v4, vm0, $0xb8;
	[tilespmem:$0x10100] =	vst v63  }
0x52: {  	s10 =	simm.s32 $0xA100  }
0x53: {  	[tilespmem:s10], [sflag:$0x1] =	stream.indirect_vreg.gather [hbm4b:s1+s3], $0x80, v3, vm0, $0xb8;
	[tilespmem:$0x10100] =	vst v63  }
0x54: {  	_ = 	snop  }
0x55: {  	[tilespmem:s11], [sflag:$0x1] =	stream.indirect_vreg.gather [hbm4b:s5+s3], $0x80, v3, vm0, $0xb8;
	[tilespmem:$0x10100] =	vst v63  }
0x56: {  	_ = 	snop  }
0x57: {  	[tilespmem:s14], [sflag:$0x1] =	stream.indirect_vreg.gather [hbm4b:s6+s3], $0x80, v3, vm0, $0xb8;
	[tilespmem:$0x10100] =	vst v63  }
0x58: {  	_ = 	snop  }
0x59: {  	[tilespmem:s15], [sflag:$0x1] =	stream.indirect_vreg.gather [hbm4b:s7+s3], $0x80, v3, vm0, $0xb8;
	[tilespmem:$0x10100] =	vst v63  }
0x5a: {  	v3 =	vld [tilespmem:$0x30];
	_ =	sdelay $0x4  }
0x5b: {  	v63 =	vshll.u32 v3, $0x3  }
0x5c: {  	v3 =	vand.u32 $0x7, v3;
	v4 =	vand.u32 $0xFFFFFFC0, v63  }
0x5d: {  	v3 =	vor.u32 v3, v4  }
0x5e: {  	v4 =	vperm.xlane v3, v0;
	_ =	sdelay $0x1  }
0x5f: {  	v4 =	vadd.s32 v1, v4;
	_ =	sdelay $0x4  }
0x60: {  	[tilespmem:s16], [sflag:$0x1] =	stream.indirect_vreg.gather [hbm4b:s1+s3], $0x80, v4, vm0, $0xb8;
	[tilespmem:$0x10100] =	vst v63  }
0x61: {  	v3 =	vperm.xlane v3, v2  }
0x62: {  	[tilespmem:s17], [sflag:$0x1] =	stream.indirect_vreg.gather [hbm4b:s5+s3], $0x80, v4, vm0, $0xb8;
	[tilespmem:$0x10100] =	vst v63  }
0x63: {  	v3 =	vadd.s32 v1, v3  }
0x64: {  	[tilespmem:s18], [sflag:$0x1] =	stream.indirect_vreg.gather [hbm4b:s6+s3], $0x80, v4, vm0, $0xb8;
	[tilespmem:$0x10100] =	vst v63  }
0x65: {  	_ = 	snop  }
0x66: {  	[tilespmem:s19], [sflag:$0x1] =	stream.indirect_vreg.gather [hbm4b:s7+s3], $0x80, v4, vm0, $0xb8;
	[tilespmem:$0x10100] =	vst v63  }
0x67: {  	_ = 	snop  }
0x68: {  	[tilespmem:s20], [sflag:$0x1] =	stream.indirect_vreg.gather [hbm4b:s1+s3], $0x80, v3, vm0, $0xb8;
	[tilespmem:$0x10100] =	vst v63  }
0x69: {  	_ = 	snop  }
0x6a: {  	[tilespmem:s22], [sflag:$0x1] =	stream.indirect_vreg.gather [hbm4b:s5+s3], $0x80, v3, vm0, $0xb8;
	[tilespmem:$0x10100] =	vst v63  }
0x6b: {  	_ = 	snop  }
0x6c: {  	[tilespmem:s23], [sflag:$0x1] =	stream.indirect_vreg.gather [hbm4b:s6+s3], $0x80, v3, vm0, $0xb8;
	[tilespmem:$0x10100] =	vst v63  }
0x6d: {  	s29 =	simm.s32 $0x70;
	s31 =	simm.s32 $0x0  }
0x6e: {  	[tilespmem:s24], [sflag:$0x1] =	stream.indirect_vreg.gather [hbm4b:s7+s3], $0x80, v3, vm0, $0xb8;
	[tilespmem:$0x10100] =	vst v63  }
.LBB2_2:
0x6f: {  	_ =	swait.ge [sflag:s25], $0x4000  }
0x70: {  	[sflag:s25] =	ssyncset.done $0x0  }
0x71: {  	s0 =	sadd.s32 s31, s9;
	[sflag:s25] =	ssyncadd.s32 $0xFFFFC000  }
0x72: {  	[hbm4b:s0+s3] =	stream.linear.scatter [tilespmem:s13], [sflag:$0x2], $0x4000, $0x38;
	[tilespmem:$0x10100] =	vst v63  }
0x73: {  	_ =	swait.ge [sflag:s26], $0x4000  }
0x74: {  	[sflag:s26] =	ssyncset.done $0x0  }
0x75: {  	p0 =	seq.s32 s31, $0x6000;
	[sflag:s26] =	ssyncadd.s32 $0xFFFFC000  }
0x76: {  	v3 =	vld @!p0 [tilespmem:s29+$0xFFFFFFD0];
	_ =	sdelay $0x4  }
0x77: {  	v4 =	vshll.u32 @!p0 v3, $0x3  }
0x78: {  	v5 =	vlaneseq.u32 @!p0;
	v3 =	vand.u32 @!p0 $0x7, v3;
	v4 =	vand.u32 @!p0 $0xFFFFFFC0, v4  }
0x79: {  	v6 =	vshrl.u32 @!p0 v5, $0x3;
	v3 =	vor.u32 @!p0 v3, v4;
	v4 =	vand.u32 @!p0 $0x7, v5  }
0x7a: {  	v6 =	vmul.u32 @!p0 $0x8, v6;
	v7 =	vperm.xlane @!p0 v3, v4;
	_ =	sdelay $0x1  }
0x7b: {  	v7 =	vadd.s32 @!p0 v6, v7;
	_ =	sdelay $0x3  }
0x7c: {  	vm1 =	vmmov @!p0 $0xffff;
	s2 =	simm.s32 @!p0 $0x0;
	s10 =	simm.s32 @!p0 $0x100  }
0x7d: {  	v5 =	vor.u32 @!p0 $0x8, v5;
	[tilespmem:s10], [sflag:$0x1] =	stream.indirect_vreg.gather @!p0 [hbm4b:s1+s2], $0x80, v7, vm1, $0xb8;
	[tilespmem:$0x10100] =	vst v63  }
0x7e: {  	v3 =	vperm.xlane @!p0 v3, v5;
	s10 =	simm.s32 @!p0 $0x900  }
0x7f: {  	[tilespmem:s10], [sflag:$0x1] =	stream.indirect_vreg.gather @!p0 [hbm4b:s5+s2], $0x80, v7, vm1, $0xb8;
	[tilespmem:$0x10100] =	vst v63  }
0x80: {  	v3 =	vadd.s32 @!p0 v6, v3;
	s10 =	simm.s32 @!p0 $0x1100  }
0x81: {  	[tilespmem:s10], [sflag:$0x1] =	stream.indirect_vreg.gather @!p0 [hbm4b:s6+s2], $0x80, v7, vm1, $0xb8;
	[tilespmem:$0x10100] =	vst v63  }
0x82: {  	s10 =	simm.s32 @!p0 $0x1900  }
0x83: {  	[tilespmem:s10], [sflag:$0x1] =	stream.indirect_vreg.gather @!p0 [hbm4b:s7+s2], $0x80, v7, vm1, $0xb8;
	[tilespmem:$0x10100] =	vst v63  }
0x84: {  	s10 =	simm.s32 @!p0 $0x2100  }
0x85: {  	[tilespmem:s10], [sflag:$0x1] =	stream.indirect_vreg.gather @!p0 [hbm4b:s1+s2], $0x80, v3, vm1, $0xb8;
	[tilespmem:$0x10100] =	vst v63  }
0x86: {  	s10 =	simm.s32 @!p0 $0x2900  }
0x87: {  	[tilespmem:s10], [sflag:$0x1] =	stream.indirect_vreg.gather @!p0 [hbm4b:s5+s2], $0x80, v3, vm1, $0xb8;
	[tilespmem:$0x10100] =	vst v63  }
0x88: {  	s10 =	simm.s32 @!p0 $0x3100  }
0x89: {  	[tilespmem:s10], [sflag:$0x1] =	stream.indirect_vreg.gather @!p0 [hbm4b:s6+s2], $0x80, v3, vm1, $0xb8;
	[tilespmem:$0x10100] =	vst v63  }
0x8a: {  	s10 =	simm.s32 @!p0 $0x3900  }
0x8b: {  	[tilespmem:s10], [sflag:$0x1] =	stream.indirect_vreg.gather @!p0 [hbm4b:s7+s2], $0x80, v3, vm1, $0xb8;
	[tilespmem:$0x10100] =	vst v63  }
0x8c: {  	_ =	swait.ge [sflag:s25], $0x4000  }
0x8d: {  	[sflag:s25] =	ssyncset.done $0x0  }
0x8e: {  	s10 =	sadd.s32 $0x800, s0;
	[sflag:s25] =	ssyncadd.s32 $0xFFFFC000  }
0x8f: {  	[hbm4b:s10+s3] =	stream.linear.scatter [tilespmem:s21], [sflag:$0x2], $0x4000, $0x38;
	[tilespmem:$0x10100] =	vst v63  }
0x90: {  	_ =	swait.ge [sflag:s26], $0x4000  }
0x91: {  	[sflag:s26] =	ssyncset.done $0x0  }
0x92: {  	[sflag:s26] =	ssyncadd.s32 $0xFFFFC000  }
0x93: {  	v3 =	vld @!p0 [tilespmem:s29+$0xFFFFFFE0];
	_ =	sdelay $0x4  }
0x94: {  	v7 =	vshll.u32 @!p0 v3, $0x3  }
0x95: {  	v3 =	vand.u32 @!p0 $0x7, v3;
	v7 =	vand.u32 @!p0 $0xFFFFFFC0, v7  }
0x96: {  	v3 =	vor.u32 @!p0 v3, v7  }
0x97: {  	v7 =	vperm.xlane @!p0 v3, v4;
	_ =	sdelay $0x1  }
0x98: {  	v7 =	vadd.s32 @!p0 v6, v7;
	_ =	sdelay $0x3  }
0x99: {  	s10 =	simm.s32 @!p0 $0x4100  }
0x9a: {  	[tilespmem:s10], [sflag:$0x1] =	stream.indirect_vreg.gather @!p0 [hbm4b:s1+s2], $0x80, v7, vm1, $0xb8;
	[tilespmem:$0x10100] =	vst v63  }
0x9b: {  	v3 =	vperm.xlane @!p0 v3, v5;
	s10 =	simm.s32 @!p0 $0x4900  }
0x9c: {  	[tilespmem:s10], [sflag:$0x1] =	stream.indirect_vreg.gather @!p0 [hbm4b:s5+s2], $0x80, v7, vm1, $0xb8;
	[tilespmem:$0x10100] =	vst v63  }
0x9d: {  	v3 =	vadd.s32 @!p0 v6, v3;
	s10 =	simm.s32 @!p0 $0x5100  }
0x9e: {  	[tilespmem:s10], [sflag:$0x1] =	stream.indirect_vreg.gather @!p0 [hbm4b:s6+s2], $0x80, v7, vm1, $0xb8;
	[tilespmem:$0x10100] =	vst v63  }
0x9f: {  	s10 =	simm.s32 @!p0 $0x5900  }
0xa0: {  	[tilespmem:s10], [sflag:$0x1] =	stream.indirect_vreg.gather @!p0 [hbm4b:s7+s2], $0x80, v7, vm1, $0xb8;
	[tilespmem:$0x10100] =	vst v63  }
0xa1: {  	s10 =	simm.s32 @!p0 $0x6100  }
0xa2: {  	[tilespmem:s10], [sflag:$0x1] =	stream.indirect_vreg.gather @!p0 [hbm4b:s1+s2], $0x80, v3, vm1, $0xb8;
	[tilespmem:$0x10100] =	vst v63  }
0xa3: {  	s10 =	simm.s32 @!p0 $0x6900  }
0xa4: {  	[tilespmem:s10], [sflag:$0x1] =	stream.indirect_vreg.gather @!p0 [hbm4b:s5+s2], $0x80, v3, vm1, $0xb8;
	[tilespmem:$0x10100] =	vst v63  }
0xa5: {  	s10 =	simm.s32 @!p0 $0x7100  }
0xa6: {  	[tilespmem:s10], [sflag:$0x1] =	stream.indirect_vreg.gather @!p0 [hbm4b:s6+s2], $0x80, v3, vm1, $0xb8;
	[tilespmem:$0x10100] =	vst v63  }
0xa7: {  	s10 =	simm.s32 @!p0 $0x7900  }
0xa8: {  	[tilespmem:s10], [sflag:$0x1] =	stream.indirect_vreg.gather @!p0 [hbm4b:s7+s2], $0x80, v3, vm1, $0xb8;
	[tilespmem:$0x10100] =	vst v63  }
0xa9: {  	_ =	swait.ge [sflag:s25], $0x4000  }
0xaa: {  	[sflag:s25] =	ssyncset.done $0x0  }
0xab: {  	s10 =	sadd.s32 $0x1000, s0;
	[sflag:s25] =	ssyncadd.s32 $0xFFFFC000  }
0xac: {  	[hbm4b:s10+s3] =	stream.linear.scatter [tilespmem:s30], [sflag:$0x2], $0x4000, $0x38;
	[tilespmem:$0x10100] =	vst v63  }
0xad: {  	_ =	swait.ge [sflag:s26], $0x4000  }
0xae: {  	[sflag:s26] =	ssyncset.done $0x0  }
0xaf: {  	[sflag:s26] =	ssyncadd.s32 $0xFFFFC000  }
0xb0: {  	v3 =	vld @!p0 [tilespmem:s29+$0xFFFFFFF0];
	_ =	sdelay $0x4  }
0xb1: {  	v7 =	vshll.u32 @!p0 v3, $0x3  }
0xb2: {  	v3 =	vand.u32 @!p0 $0x7, v3;
	v7 =	vand.u32 @!p0 $0xFFFFFFC0, v7  }
0xb3: {  	v3 =	vor.u32 @!p0 v3, v7  }
0xb4: {  	v4 =	vperm.xlane @!p0 v3, v4;
	_ =	sdelay $0x1  }
0xb5: {  	v4 =	vadd.s32 @!p0 v6, v4;
	_ =	sdelay $0x3  }
0xb6: {  	s10 =	simm.s32 @!p0 $0x8100  }
0xb7: {  	[tilespmem:s10], [sflag:$0x1] =	stream.indirect_vreg.gather @!p0 [hbm4b:s1+s2], $0x80, v4, vm1, $0xb8;
	[tilespmem:$0x10100] =	vst v63  }
0xb8: {  	v3 =	vperm.xlane @!p0 v3, v5;
	s10 =	simm.s32 @!p0 $0x8900  }
0xb9: {  	[tilespmem:s10], [sflag:$0x1] =	stream.indirect_vreg.gather @!p0 [hbm4b:s5+s2], $0x80, v4, vm1, $0xb8;
	[tilespmem:$0x10100] =	vst v63  }
0xba: {  	v3 =	vadd.s32 @!p0 v6, v3;
	s10 =	simm.s32 @!p0 $0x9100  }
0xbb: {  	[tilespmem:s10], [sflag:$0x1] =	stream.indirect_vreg.gather @!p0 [hbm4b:s6+s2], $0x80, v4, vm1, $0xb8;
	[tilespmem:$0x10100] =	vst v63  }
0xbc: {  	s10 =	simm.s32 @!p0 $0x9900  }
0xbd: {  	[tilespmem:s10], [sflag:$0x1] =	stream.indirect_vreg.gather @!p0 [hbm4b:s7+s2], $0x80, v4, vm1, $0xb8;
	[tilespmem:$0x10100] =	vst v63  }
0xbe: {  	s10 =	simm.s32 @!p0 $0xA100  }
0xbf: {  	[tilespmem:s10], [sflag:$0x1] =	stream.indirect_vreg.gather @!p0 [hbm4b:s1+s2], $0x80, v3, vm1, $0xb8;
	[tilespmem:$0x10100] =	vst v63  }
0xc0: {  	s10 =	simm.s32 @!p0 $0xA900  }
0xc1: {  	[tilespmem:s10], [sflag:$0x1] =	stream.indirect_vreg.gather @!p0 [hbm4b:s5+s2], $0x80, v3, vm1, $0xb8;
	[tilespmem:$0x10100] =	vst v63  }
0xc2: {  	s10 =	simm.s32 @!p0 $0xB100  }
0xc3: {  	[tilespmem:s10], [sflag:$0x1] =	stream.indirect_vreg.gather @!p0 [hbm4b:s6+s2], $0x80, v3, vm1, $0xb8;
	[tilespmem:$0x10100] =	vst v63  }
0xc4: {  	s10 =	simm.s32 @!p0 $0xB900  }
0xc5: {  	[tilespmem:s10], [sflag:$0x1] =	stream.indirect_vreg.gather @!p0 [hbm4b:s7+s2], $0x80, v3, vm1, $0xb8;
	[tilespmem:$0x10100] =	vst v63  }
0xc6: {  	_ =	swait.ge [sflag:s25], $0x4000  }
0xc7: {  	[sflag:s25] =	ssyncset.done $0x0  }
.Ltmp2:
0xc8: {  	s0 =	sadd.s32 $0x1800, s0;
	[sflag:s25] =	ssyncadd.s32 $0xFFFFC000;
	(pc) =	sbr.rel @p0 .LBB2_4-.Ltmp2, $4  }
0xc9: {  	[hbm4b:s0+s3] =	stream.linear.scatter [tilespmem:s16], [sflag:$0x2], $0x4000, $0x38;
	[tilespmem:$0x10100] =	vst v63  }
0xca: {  	_ =	swait.ge [sflag:s26], $0x4000  }
0xcb: {  	[sflag:s26] =	ssyncset.done $0x0  }
0xcc: {  	[sflag:s26] =	ssyncadd.s32 $0xFFFFC000  }
0xcd: {  	v3 =	vld [tilespmem:s29+$0x0];
	_ =	sdelay $0x4  }
0xce: {  	v4 =	vshll.u32 v3, $0x3  }
0xcf: {  	v3 =	vand.u32 $0x7, v3;
	v4 =	vand.u32 $0xFFFFFFC0, v4  }
0xd0: {  	v3 =	vor.u32 v3, v4  }
0xd1: {  	v4 =	vperm.xlane v3, v0;
	_ =	sdelay $0x1  }
0xd2: {  	v4 =	vadd.s32 v1, v4;
	_ =	sdelay $0x4  }
0xd3: {  	[tilespmem:s16], [sflag:$0x1] =	stream.indirect_vreg.gather [hbm4b:s1+s3], $0x80, v4, vm0, $0xb8;
	[tilespmem:$0x10100] =	vst v63  }
0xd4: {  	v3 =	vperm.xlane v3, v2  }
0xd5: {  	[tilespmem:s17], [sflag:$0x1] =	stream.indirect_vreg.gather [hbm4b:s5+s3], $0x80, v4, vm0, $0xb8;
	[tilespmem:$0x10100] =	vst v63  }
0xd6: {  	v3 =	vadd.s32 v1, v3  }
0xd7: {  	[tilespmem:s18], [sflag:$0x1] =	stream.indirect_vreg.gather [hbm4b:s6+s3], $0x80, v4, vm0, $0xb8;
	[tilespmem:$0x10100] =	vst v63  }
0xd8: {  	_ = 	snop  }
0xd9: {  	[tilespmem:s19], [sflag:$0x1] =	stream.indirect_vreg.gather [hbm4b:s7+s3], $0x80, v4, vm0, $0xb8;
	[tilespmem:$0x10100] =	vst v63  }
0xda: {  	_ = 	snop  }
0xdb: {  	[tilespmem:s20], [sflag:$0x1] =	stream.indirect_vreg.gather [hbm4b:s1+s3], $0x80, v3, vm0, $0xb8;
	[tilespmem:$0x10100] =	vst v63  }
0xdc: {  	_ = 	snop  }
0xdd: {  	[tilespmem:s22], [sflag:$0x1] =	stream.indirect_vreg.gather [hbm4b:s5+s3], $0x80, v3, vm0, $0xb8;
	[tilespmem:$0x10100] =	vst v63  }
.Ltmp3:
0xde: {  	_ = 	snop;
	(pc) =	sbr.rel .LBB2_2-.Ltmp3, $4  }
0xdf: {  	_ = 	snop  }
0xe0: {  	[tilespmem:s23], [sflag:$0x1] =	stream.indirect_vreg.gather [hbm4b:s6+s3], $0x80, v3, vm0, $0xb8;
	[tilespmem:$0x10100] =	vst v63  }
0xe1: {  	s31 =	sadd.s32 $0x2000, s31;
	s29 =	sadd.s32 $0x40, s29  }
0xe2: {  	[tilespmem:s24], [sflag:$0x1] =	stream.indirect_vreg.gather [hbm4b:s7+s3], $0x80, v3, vm0, $0xb8;
	[tilespmem:$0x10100] =	vst v63  }
.LBB2_5:
0xe3: {  	_ =	sfence.sel $0x180000  }
0xe4: {  	[bflag:$0x0] =	sbarrier.arrive $0xFFFF  }
0xe5: {  	_ =	strace $0x90000047  }
0xe6: {  	s0 =	stileid.u32;
	[bflag:$0x2] =	sbarrier.arrive $0xFFFF  }
0xe7: {  	p0 =	sne.s32 s0, $0x0;
	s0 =	rddreg [dreg:$0x3]  }
0xe8: {  	s0 =	sadd.s32 @!p0 $0x100000, s0  }
0xe9: {  	[sflag:s0] =	ssyncadd.tile.s32 @!p0 $0x1;
	_ =	shalt  }
.Lfunc_end2:
_tile_overlayer_lowered:
.L_overlay_start_2:
0xea: {  	(tag) =	ssettag $0x2  }
0xeb: {  	s0 =	rddreg [dreg:$0x0];
	s2 =	stileid.u32  }
0xec: {  	s1 =	rddreg [dreg:$0x1];
	p0 =	sne.s32 s2, $0x0  }
0xed: {  	s3 =	rddreg [dreg:$0x2];
	[bflag:$0x3] =	sbarrier.arrive $0xFFFF;
	s2 =	simm.s32 @!p0 $0x1C03  }
0xee: {  	[timem:s3], [sflag:s2] =	dma.local @!p0 [hbm:s0], s1  }
0xef: {  	s0 =	simm.s32 @!p0 $0x3  }
0xf0: {  	_ =	swait.ge @!p0 [sflag:s0], s1  }
0xf1: {  	s1 =	ssub.s32 @!p0 $0x0, s1;
	[sflag:s0] =	ssyncset.done @!p0 $0x0  }
0xf2: {  	[sflag:s0] =	ssyncadd.s32 @!p0 s1  }
0xf3: {  	[bflag:$0x3] =	sbarrier.arrive $0xFFFF  }
0xf4: {  	_ =	shalt  }

</sc_bundles>
